<compile_context>
chip_gen: v7x
topology: tpu7x:2x2x1
jax: 0.10.2.dev20260603
libtpu: 0.0.44.dev20260713+nightly
codegen_flags: <defaults>
</compile_context>

<pallas_src>
import functools

import jax
import jax.numpy as jnp
from jax import lax
from jax.experimental import pallas as pl
from jax.experimental.pallas import tpu as pltpu
from jax.experimental.pallas import tpu_sc as plsc

_NUM_CLASSES = 19
_NUM_PROTOTYPE = 10

_NC = 2
_NS = 16
_LANES = 16
_NW = _NC * _NS


def _make_sc_kernel(n: int, num_cores: int = _NC):
    chunk = n // (num_cores * _NS)
    assert chunk % _LANES == 0 and chunk % 8 == 0
    mesh = plsc.VectorSubcoreMesh(
        core_axis_name="c", subcore_axis_name="s", num_cores=num_cores
    )

    @functools.partial(
        pl.kernel,
        mesh=mesh,
        out_type=jax.ShapeDtypeStruct((n,), jnp.float32),
        scratch_types=[pltpu.VMEM((chunk,), jnp.float32)],
    )
    def edge_mask_kernel(ct_hbm, out_hbm, buf):
        wid = lax.axis_index("s") * num_cores + lax.axis_index("c")
        base = wid * chunk
        pltpu.sync_copy(ct_hbm.at[pl.ds(base, chunk)], buf)

        @plsc.parallel_loop(0, chunk // _LANES, unroll=8)
        def body(i):
            sl = pl.ds(i * _LANES, _LANES)
            vp1 = buf[sl] + 1.0
            k = (vp1 * 0.1).astype(jnp.int32).astype(jnp.float32)
            hit = k * 10.0 == vp1
            buf[sl] = jnp.where(hit, 1.0, 0.0).astype(jnp.float32)

        pltpu.sync_copy(buf, out_hbm.at[pl.ds(base, chunk)])

    return edge_mask_kernel


def kernel(seg_edge, seg_body, logits, contrast_target, target, gt_boundary):
    b, _, h, w = seg_edge.shape
    n = contrast_target.shape[0]
    flat = _make_sc_kernel(n, num_cores=1)(contrast_target)
    return flat.reshape(-1, h, w)

# --- scband reference (transcript-rebuilt; emitter-appended) ---
"""Pipeline reference for scband-edge-body-loss-68023692034598 (READ-ONLY COPY).

The authoritative reference and input builder live on the scoring server;
editing this copy changes nothing except your own understanding.
"""

import jax, jax.numpy as jnp
import numpy as np

NUM_CLASSES = 19
NUM_PROTOTYPE = 10

def setup_inputs(seed: int = 0) -> dict:
    key = jax.random.key(seed)
    ks = jax.random.split(key, 6)
    b, h, w = 4, 128, 128
    seg_edge = jax.random.normal(ks[0], (b, 2, h, w), dtype=jnp.float32)
    seg_body = jax.random.normal(ks[1], (b, NUM_CLASSES, h, w), dtype=jnp.float32)
    logits = jax.random.normal(ks[2], (b * h * w, NUM_CLASSES * NUM_PROTOTYPE), dtype=jnp.float32)
    contrast_target = jax.random.randint(ks[3], (b * h * w,), 0, NUM_CLASSES * NUM_PROTOTYPE).astype(jnp.float32)
    target = jax.random.randint(ks[4], (b, h, w), 0, NUM_CLASSES).astype(jnp.int64)
    gt_boundary = jax.random.uniform(ks[5], (b, h, w), dtype=jnp.float32)
    return {
        'seg_edge': seg_edge,
        'seg_body': seg_body,
        'logits': logits,
        'contrast_target': contrast_target,
        'target': target,
        'gt_boundary': gt_boundary,
    }

def reference(seg_edge, seg_body, logits, contrast_target, target, gt_boundary):
    # Faithful translation of EdgeBodyLoss.forward (the torch code builds
    # edge_contrast_logits via masked_scatter_ with value 1 per class edge mask).
    b, _, h, w = seg_edge.shape
    ct = contrast_target.reshape(-1, h, w)
    edge_contrast_logits = jnp.zeros_like(ct)
    for i in range(NUM_CLASSES):
        edge_mask = ct == (float(NUM_PROTOTYPE - 1) + NUM_PROTOTYPE * i)
        # masked_scatter_ with scalar source 1 == overwrite masked positions with 1
        edge_contrast_logits = jnp.where(edge_mask, jnp.ones_like(edge_contrast_logits), edge_contrast_logits)
    return edge_contrast_logits

if __name__ == "__main__":
    import jax
    _d = setup_inputs()
    print(jax.jit(kernel)(*tuple(_d.values())))

</pallas_src>

<mosaic_0001>
#map = affine_map<(d0, d1) -> (0)>
module attributes {stable_mosaic.version = 14 : i64} {
  func.func @edge_mask_kernel(%arg0: i32, %arg1: i32, %arg2: memref<65536xf32, #tpu.memory_space<hbm>>, %arg3: memref<65536xf32, #tpu.memory_space<hbm>>, %arg4: memref<4096xf32, #tpu.memory_space<vmem>>) attributes {dimension_semantics = [#tpu.dimension_semantics<core_parallel>, #tpu.dimension_semantics<subcore_parallel>], iteration_bounds = array<i64: 1, 16>, scalar_prefetch = 0 : i64, scratch_operands = 1 : i64, tpu.core_type = #tpu.core_type<sc_vector_subcore>, window_params = [{transform_indices = #map}, {transform_indices = #map}]} {
    %mul3A = arith.constant 1 : i32
    %mul3A_0 = arith.muli %arg1, %mul3A : i32
    %add3A = arith.addi %mul3A_0, %arg0 : i32
    %mul3A_1 = arith.constant 4096 : i32
    %mul3A_2 = arith.muli %add3A, %mul3A_1 : i32
    "tpu.region"() ({
      %run_scoped3A = tpu.sem_alloc : memref<!tpu.dma_semaphore, #tpu.memory_space<semaphore_mem>>
      %dma_start3A = tpu.memref_slice %arg2[%mul3A_2] : memref<65536xf32, #tpu.memory_space<hbm>> -> memref<4096xf32, #tpu.memory_space<hbm>>
      %dma_start3A_5 = tpu.memref_slice %arg2[%mul3A_2] : memref<65536xf32, #tpu.memory_space<hbm>> -> memref<4096xf32, #tpu.memory_space<hbm>>
      tpu.enqueue_dma source(%dma_start3A_5 : memref<4096xf32, #tpu.memory_space<hbm>>) target(%arg4 : memref<4096xf32, #tpu.memory_space<vmem>>) target_semaphore(%run_scoped3A : memref<!tpu.dma_semaphore, #tpu.memory_space<semaphore_mem>>)
      %dma_wait3A = tpu.memref_slice %arg2[%mul3A_2] : memref<65536xf32, #tpu.memory_space<hbm>> -> memref<4096xf32, #tpu.memory_space<hbm>>
      %dma_wait3A_6 = tpu.memref_slice %arg2[%mul3A_2] : memref<65536xf32, #tpu.memory_space<hbm>> -> memref<4096xf32, #tpu.memory_space<hbm>>
      tpu.wait_dma2 semaphore(%run_scoped3A : memref<!tpu.dma_semaphore, #tpu.memory_space<semaphore_mem>>) src(%dma_wait3A_6 : memref<4096xf32, #tpu.memory_space<hbm>>) dst(%arg4 : memref<4096xf32, #tpu.memory_space<vmem>>)
      tpu.yield
    }) : () -> ()
    %parallel_loop3A = arith.constant 0 : i32
    %parallel_loop3A_3 = arith.constant 256 : i32
    %parallel_loop3A_4 = arith.constant 1 : i32
    scf.for %parallel_loop3A_5 = %parallel_loop3A to %parallel_loop3A_3 step %parallel_loop3A_4  : i32 {
      %parallel_loop3A_6 = arith.constant 16 : i32
      %parallel_loop3A_7 = arith.muli %parallel_loop3A_5, %parallel_loop3A_6 : i32
      %parallel_loop3A_8 = arith.index_cast %parallel_loop3A_7 : i32 to index
      %parallel_loop3A_9 = tpu.vector_load %arg4[%parallel_loop3A_8] {strides = array<i32>} : memref<4096xf32, #tpu.memory_space<vmem>>, vector<16xf32>,
      %parallel_loop3A_10 = vector.shape_cast %parallel_loop3A_9 : vector<16xf32> to vector<16xf32>
      %parallel_loop3A_11 = arith.constant 1.000000e+00 : f32
      %parallel_loop3A_12 = vector.broadcast %parallel_loop3A_11 : f32 to vector<16xf32>
      %parallel_loop3A_13 = arith.addf %parallel_loop3A_10, %parallel_loop3A_12 : vector<16xf32>
      %parallel_loop3A_14 = arith.constant 1.000000e-01 : f32
      %parallel_loop3A_15 = vector.broadcast %parallel_loop3A_14 : f32 to vector<16xf32>
      %parallel_loop3A_16 = arith.mulf %parallel_loop3A_13, %parallel_loop3A_15 : vector<16xf32>
      %parallel_loop3A_17 = arith.fptosi %parallel_loop3A_16 : vector<16xf32> to vector<16xi32>
      %parallel_loop3A_18 = arith.sitofp %parallel_loop3A_17 : vector<16xi32> to vector<16xf32>
      %parallel_loop3A_19 = arith.constant 1.000000e+01 : f32
      %parallel_loop3A_20 = vector.broadcast %parallel_loop3A_19 : f32 to vector<16xf32>
      %parallel_loop3A_21 = arith.mulf %parallel_loop3A_18, %parallel_loop3A_20 : vector<16xf32>
      %parallel_loop3A_22 = arith.cmpf oeq, %parallel_loop3A_21, %parallel_loop3A_13 : vector<16xf32>
      %parallel_loop3A_23 = arith.constant 1.000000e+00 : f32
      %parallel_loop3A_24 = arith.constant 0.000000e+00 : f32
      %parallel_loop3A_25 = vector.broadcast %parallel_loop3A_23 : f32 to vector<16xf32>
      %parallel_loop3A_26 = vector.broadcast %parallel_loop3A_24 : f32 to vector<16xf32>
      %parallel_loop3A_27 = arith.select %parallel_loop3A_22, %parallel_loop3A_25, %parallel_loop3A_26 : vector<16xi1>, vector<16xf32>
      %parallel_loop3A_28 = arith.index_cast %parallel_loop3A_7 : i32 to index
      %parallel_loop3A_29 = tpu.vector_load %arg4[%parallel_loop3A_28] {strides = array<i32>} : memref<4096xf32, #tpu.memory_space<vmem>>, vector<16xf32>,
      %parallel_loop3A_30 = vector.shape_cast %parallel_loop3A_29 : vector<16xf32> to vector<16xf32>
      %parallel_loop3A_31 = vector.shape_cast %parallel_loop3A_27 : vector<16xf32> to vector<16xf32>
      tpu.vector_store %arg4[%parallel_loop3A_28], %parallel_loop3A_31 {strides = array<i32>} : memref<4096xf32, #tpu.memory_space<vmem>>, vector<16xf32>,
    } {sc.loop_unroll_factor = 8 : i64, sc.parallel_access}
    "tpu.region"() ({
      %run_scoped3A = tpu.sem_alloc : memref<!tpu.dma_semaphore, #tpu.memory_space<semaphore_mem>>
      %dma_start3A = tpu.memref_slice %arg3[%mul3A_2] : memref<65536xf32, #tpu.memory_space<hbm>> -> memref<4096xf32, #tpu.memory_space<hbm>>
      %dma_start3A_5 = tpu.memref_slice %arg3[%mul3A_2] : memref<65536xf32, #tpu.memory_space<hbm>> -> memref<4096xf32, #tpu.memory_space<hbm>>
      tpu.enqueue_dma source(%arg4 : memref<4096xf32, #tpu.memory_space<vmem>>) target(%dma_start3A_5 : memref<4096xf32, #tpu.memory_space<hbm>>) target_semaphore(%run_scoped3A : memref<!tpu.dma_semaphore, #tpu.memory_space<semaphore_mem>>)
      %dma_wait3A = tpu.memref_slice %arg3[%mul3A_2] : memref<65536xf32, #tpu.memory_space<hbm>> -> memref<4096xf32, #tpu.memory_space<hbm>>
      %dma_wait3A_6 = tpu.memref_slice %arg3[%mul3A_2] : memref<65536xf32, #tpu.memory_space<hbm>> -> memref<4096xf32, #tpu.memory_space<hbm>>
      tpu.wait_dma2 semaphore(%run_scoped3A : memref<!tpu.dma_semaphore, #tpu.memory_space<semaphore_mem>>) src(%arg4 : memref<4096xf32, #tpu.memory_space<vmem>>) dst(%dma_wait3A_6 : memref<4096xf32, #tpu.memory_space<hbm>>)
      tpu.yield
    }) : () -> ()
    return
  }
}

</mosaic_0001>

<sc_bundles>
// kernel: kernel.3.cloned.1.call-start
scs
__scs_entry_jumppad:
0x0: {  	(pc) =	sbr.rel $0x88, $3  }
0x1: {  	(tag) =	ssettag $0x0;
	lr =	simm.s32 $0x1  }
0x2: {  	[smem:$0x3FA0] =	sst lr;
	_ =	strace $0xD0000000  }
0x3: {  	_ = 	snop  }
0x4: {  	_ = 	snop  }
0x5: {  	_ = 	snop  }
0x6: {  	_ = 	snop  }
0x7: {  	_ = 	snop  }
__scs_overlays_trampoline_lowered:
0x8: {  	[smem:$0x3FAF] =	sst s0  }
0x9: {  	[smem:$0x3FB0] =	sst s1  }
0xa: {  	[smem:$0x3FB1] =	sst s2  }
0xb: {  	[smem:$0x3FB2] =	sst s3  }
0xc: {  	[smem:$0x3FB3] =	sst s4  }
0xd: {  	[smem:$0x3FB4] =	sst s5  }
0xe: {  	[smem:$0x3FB5] =	sst s6  }
0xf: {  	[smem:$0x3FB6] =	sst s7  }
0x10: {  	[smem:$0x3FB7] =	sst s8  }
0x11: {  	[smem:$0x3FB8] =	sst s9;
	s0 =	simm.s32 @!p0 $0x0  }
0x12: {  	s1 =	sld [smem:$0x3F9E];
	s0 =	simm.s32 @p0 $0x1  }
0x13: {  	[smem:$0x3FB9] =	sst s0;
	s0 =	simm.s32 @!p1 $0x0  }
0x14: {  	s2 =	sld [smem:$0x3F9D];
	s0 =	simm.s32 @p1 $0x1  }
0x15: {  	[smem:$0x3FBA] =	sst s0;
	s0 =	simm.s32 @!p2 $0x0  }
0x16: {  	s3 =	sld [smem:$0x3FDB];
	s0 =	simm.s32 @p2 $0x1  }
0x17: {  	s4 =	simm.s32 $0x1BF5;
	[smem:$0x3FBC] =	sst s0  }
0x18: {  	s0 =	sld [smem:$0x3F9F];
	_ =	swait.ge [sflag:s4], $0x0  }
0x19: {  	s7 =	sld [smem:$0x3FA0]  }
0x1a: {  	s8 =	sadd.s32 $0xFFFFE003, lr  }
0x1b: {  	s9 =	sadd.s32 $0xFFFFFEF7, lr;
	s5 =	simm.s32 $0xFFFFFFFF;
	p2 =	slt.u32 s8, $0xFFFFF086  }
0x1c: {  	p1 =	slt.u32 s9, $0xF7A;
	s5 =	simm.s32 @!p2 $0x0  }
0x1d: {  	s5 =	simm.s32 @p1 $0x1;
	p0 =	seq.s32 s7, s2  }
0x1e: {  	s7 =	smul.u32 @!p0 $0xF7A, s2;
	p2 =	seq.s32 @!p0 s5, $0x0  }
0x1f: {  	s9 =	smul.u32 $0xF7A, s1;
	s8 =	simm.s32 @!p0 $0x1BF5;
	p2 =	por !p2, p0  }
0x20: {  	[sflag:s8] =	ssyncset.s32 @!p0 $0xFFFFF086;
	s6 =	sadd.s32 @!p0 s3, s7;
	s7 =	simm.s32 @!p0 $0x108  }
0x21: {  	s3 =	sadd.s32 s3, s9;
	s6 =	sadd.s32 @!p0 $0x88, s6;
	s7 =	simm.s32 @p2 $0x1082  }
0x22: {  	[simem:s7], [sflag:s8] =	dma.local @!p0 [hbm:s6], $0xF7A  }
0x23: {  	s9 =	sor.u32 $0xD0000000, s2;
	s6 =	simm.s32 $0x108;
	_ =	swait.ge @!p0 [sflag:s8], $0x0  }
0x24: {  	s3 =	sadd.s32 $0x88, s3;
	s6 =	simm.s32 @!p1 $0x1082;
	[sflag:s4] =	ssyncset.s32 $0xFFFFF086  }
0x25: {  	[simem:s6], [sflag:s4] =	dma.local [hbm:s3], $0xF7A  }
0x26: {  	[smem:$0x3FA0] =	sst s1;
	(tag) =	ssettag s2;
	_ =	strace s9  }
0x27: {  	s1 =	sld [smem:$0x3FB0]  }
0x28: {  	s2 =	sld [smem:$0x3FB1]  }
0x29: {  	s4 =	sld [smem:$0x3FB3]  }
0x2a: {  	p0 =	seq.s32 s5, $0x0;
	s5 =	sld [smem:$0x3FB4]  }
0x2b: {  	s6 =	sld [smem:$0x3FB5]  }
0x2c: {  	s7 =	sld [smem:$0x3FB6]  }
0x2d: {  	s3 =	simm.s32 $0x108;
	s8 =	sld [smem:$0x3FB7]  }
0x2e: {  	s3 =	simm.s32 @!p0 $0x1082;
	s9 =	sld [smem:$0x3FB8]  }
0x2f: {  	lr =	sadd.s32 s0, s3;
	s0 =	sld [smem:$0x3FAF]  }
0x30: {  	s3 =	sld [smem:$0x3FB2]  }
0x31: {  	[smem:$0x3FBB] =	sst s10  }
0x32: {  	s10 =	sld [smem:$0x3FB9];
	_ =	sdelay $0x3  }
0x33: {  	p0 =	seq.s32 s10, $0x1;
	s10 =	sld [smem:$0x3FBB];
	_ =	sdelay $0x3  }
0x34: {  	[smem:$0x3FBB] =	sst s10  }
0x35: {  	s10 =	sld [smem:$0x3FBA];
	_ =	sdelay $0x3  }
0x36: {  	p1 =	seq.s32 s10, $0x1;
	s10 =	sld [smem:$0x3FBB];
	_ =	sdelay $0x3  }
0x37: {  	[smem:$0x3FBB] =	sst s10  }
0x38: {  	s10 =	sld [smem:$0x3FBC]  }
0x39: {  	_ = 	snop;
	(pc) =	sbr.ind lr, $3  }
0x3a: {  	_ = 	snop  }
0x3b: {  	_ = 	snop  }
0x3c: {  	p2 =	seq.s32 s10, $0x1;
	s10 =	sld [smem:$0x3FBB]  }
0x3d: {  	_ =	shalt  }
0x3e: {  	_ =	shalt  }
0x3f: {  	_ =	shalt  }
0x40: {  	_ =	shalt  }
0x41: {  	_ =	shalt  }
0x42: {  	_ =	shalt  }
0x43: {  	_ =	shalt  }
0x44: {  	_ =	shalt  }
0x45: {  	_ =	shalt  }
0x46: {  	_ =	shalt  }
0x47: {  	_ =	shalt  }
0x48: {  	_ =	shalt  }
0x49: {  	_ =	shalt  }
0x4a: {  	_ =	shalt  }
0x4b: {  	_ =	shalt  }
0x4c: {  	_ =	shalt  }
0x4d: {  	_ =	shalt  }
0x4e: {  	_ =	shalt  }
0x4f: {  	_ =	shalt  }
0x50: {  	_ =	shalt  }
0x51: {  	_ =	shalt  }
0x52: {  	_ =	shalt  }
0x53: {  	_ =	shalt  }
0x54: {  	_ =	shalt  }
0x55: {  	_ =	shalt  }
0x56: {  	_ =	shalt  }
0x57: {  	_ =	shalt  }
0x58: {  	_ =	shalt  }
0x59: {  	_ =	shalt  }
0x5a: {  	_ =	shalt  }
0x5b: {  	_ =	shalt  }
0x5c: {  	_ =	shalt  }
0x5d: {  	_ =	shalt  }
0x5e: {  	_ =	shalt  }
0x5f: {  	_ =	shalt  }
0x60: {  	_ =	shalt  }
0x61: {  	_ =	shalt  }
0x62: {  	_ =	shalt  }
0x63: {  	_ =	shalt  }
0x64: {  	_ =	shalt  }
0x65: {  	_ =	shalt  }
0x66: {  	_ =	shalt  }
0x67: {  	_ =	shalt  }
0x68: {  	_ =	shalt  }
0x69: {  	_ =	shalt  }
0x6a: {  	_ =	shalt  }
0x6b: {  	_ =	shalt  }
0x6c: {  	_ =	shalt  }
0x6d: {  	_ =	shalt  }
0x6e: {  	_ =	shalt  }
0x6f: {  	_ =	shalt  }
0x70: {  	_ =	shalt  }
0x71: {  	_ =	shalt  }
0x72: {  	_ =	shalt  }
0x73: {  	_ =	shalt  }
0x74: {  	_ =	shalt  }
0x75: {  	_ =	shalt  }
0x76: {  	_ =	shalt  }
0x77: {  	_ =	shalt  }
0x78: {  	_ =	shalt  }
0x79: {  	_ =	shalt  }
0x7a: {  	_ =	shalt  }
0x7b: {  	_ =	shalt  }
0x7c: {  	_ =	shalt  }
0x7d: {  	_ =	shalt  }
0x7e: {  	_ =	shalt  }
0x7f: {  	_ =	shalt  }
0x80: {  	_ =	shalt  }
0x81: {  	_ =	shalt  }
0x82: {  	_ =	shalt  }
0x83: {  	_ =	shalt  }
0x84: {  	_ =	shalt  }
0x85: {  	_ =	shalt  }
0x86: {  	_ =	shalt  }
0x87: {  	_ =	shalt  }
.Lfunc_end0:
.L_simem_size_0:
called_computation_lowered:
.L_overlay_start_0:
0x88: {  	s0 =	sld [smem:$0x3FD9]  }
0x89: {  	s1 =	sld [smem:$0x3FFE];
	_ =	sdelay $0x3  }
0x8a: {  	s0 =	sadd.s32 s1, s0  }
0x8b: {  	[smem:$0x3FC7] =	sst s0  }
0x8c: {  	_ = 	snop  }
0x8d: {  	s0 =	sld [smem:$0x3FC9]  }
0x8e: {  	s17 =	sld [smem:$0x3FD0];
	(tm) =	ssettm $0x1  }
0x8f: {  	s2 =	sld [smem:$0x3FFB];
	_ =	sdelay $0x3  }
0x90: {  	_ =	strace s2  }
0x91: {  	s2 =	sld [smem:$0x3FFC];
	_ =	sdelay $0x3  }
0x92: {  	_ =	strace s2  }
0x93: {  	s2 =	sld [smem:$0x3FFD];
	_ =	sdelay $0x3  }
0x94: {  	_ =	strace s2  }
0x95: {  	_ =	strace $0x8FFFFFFF  }
0x96: {  	s18 =	sld [smem:$0x3FDB];
	_ =	sdelay $0x1  }
0x97: {  	s3 =	simm.s32 $_scs_section_size  }
0x98: {  	s4 =	simm.s32 $_size__tile_overlayer_lowered;
	s5 =	simm.s32 $_tile_overlayer_lowered  }
0x99: {  	s21 =	simm.s32 $0x1BFF;
	s20 =	sshll.u32 s5, $0x1;
	s2 =	sadd.s32 s3, s18  }
0x9a: {  	s6 =	simm.s32 $0x0;
	s19 =	sshll.u32 s4, $0x1;
	s4 =	sadd.s32 s20, s2  }
0x9b: {  	[timem:s6], [sflag:s21] =	dma.local [hbm:s4], s19  }
0x9c: {  	_ =	swait.ge [sflag:s21], s19  }
0x9d: {  	s3 =	ssub.s32 $0x0, s19;
	[sflag:s21] =	ssyncset.done $0x0  }
0x9e: {  	[sflag:s21] =	ssyncadd.s32 s3;
	_ =	sdelay $0x1  }
0x9f: {  	s22 =	simm.s32 $0x1B8B  }
0xa0: {  	_ =	swait.ge [sflag:s22], $0x1  }
0xa1: {  	[sflag:s22] =	ssyncset.done $0x0  }
0xa2: {  	s23 =	simm.s32 $0x1B8E;
	[sflag:s22] =	ssyncadd.s32 $0xFFFFFFFF  }
0xa3: {  	s24 =	simm.s32 $execute0_lowered;
	[smem:$0x3FD2] =	sst s23  }
0xa4: {  	s3 =	sshll.u32 s24, $0x1;
	_ =	strace $0x80000046;
	[dreg:$0x1] =	wrdreg $0xFFFFFFFF  }
0xa5: {  	s25 =	simm.s32 $_size_execute0_lowered;
	s2 =	sadd.s32 s2, s3;
	[dreg:$0x0] =	wrdreg $0x0  }
0xa6: {  	s3 =	sshll.u32 s25, $0x1;
	[dreg:$0x2] =	wrdreg s2  }
0xa7: {  	[dreg:$0x3] =	wrdreg s3  }
0xa8: {  	[dreg:$0x4] =	wrdreg $0xC0  }
0xa9: {  	_ =	task [dreg:s6], $0x5FFFF  }
0xaa: {  	[dreg:$0x1] =	wrdreg $0xFFFFFFFF  }
0xab: {  	[dreg:$0x0] =	wrdreg $0x60  }
0xac: {  	[dreg:$0x2] =	wrdreg s0  }
0xad: {  	[dreg:$0x3] =	wrdreg s17  }
0xae: {  	[dreg:$0x4] =	wrdreg $0x9  }
0xaf: {  	_ =	task.clear_ibuf [dreg:s6], $0x5FFFF;
	_ =	strace $0x90000046  }
0xb0: {  	s26 =	simm.s32 $0x9;
	_ =	strace $0x80000048  }
0xb1: {  	_ =	swait.ge [sflag:s26], $0x1  }
0xb2: {  	[sflag:s26] =	ssyncadd.s32 $0xFFFFFFFF  }
0xb3: {  	_ =	strace $0x90000048  }
0xb4: {  	_ =	sfence  }
0xb5: {  	s28 =	sld [smem:$0x0];
	_ =	sdelay $0x1  }
0xb6: {  	s29 =	srdreg.scid  }
0xb7: {  	s30 =	sshll.u32 s29, $0xD;
	s31 =	sshrl.u32 s29, $0x2  }
0xb8: {  	s1 =	sand.u32 $0x1, s29;
	s2 =	sand.u32 $0x4000, s30;
	s0 =	sadd.s32 s31, s28  }
0xb9: {  	s1 =	sor.u32 s2, s1;
	s0 =	sshll.u32 s0, $0x11  }
0xba: {  	s0 =	sor.u32 s0, s1  }
0xbb: {  	s0 =	sadd.s32 $0x8F2B, s0  }
0xbc: {  	[sflag:s0] =	ssyncadd.remote.s32 $0x1  }
0xbd: {  	_ =	sfence.sel $0xFFFF  }
0xbe: {  	[dreg:$0x0] =	wrdreg $0xFFFFFFFF;
	(pc) =	sbr.abs _section_cstart, $3  }
0xbf: {  	[dreg:$0x1] =	wrdreg $0xFFFFFFFF  }
0xc0: {  	_ =	task.clear_ibuf [dreg:s6], $0x2FFFF;
	_ =	strace $0x9FFFFFFF  }
0xc1: {  	(tm) =	ssettm $0x7FFFFFFF  }
tec
execute0_lowered:
.L_overlay_start_1:
0x0: {  	(tag) =	ssettag $0x1  }
0x1: {  	s4 =	rddreg [dreg:$0x0]  }
0x2: {  	s2 =	rddreg [dreg:$0x1]  }
0x3: {  	s0 =	rddreg [dreg:$0x2];
	s5 =	simm.s32 $0x0;
	s1 =	stileid.u32  }
0x4: {  	[smem:$0x7FF] =	sst s5;
	s3 =	sshll.u32 s1, $0x9  }
0x5: {  	s31 =	simm.s32 $0x1;
	_ =	strace $0x80000047;
	s4 =	sadd.s32 s4, s3  }
0x6: {  	[tilespmem:s5], [sflag:$0x1] =	stream.linear.gather [hbm4b:s4+s5], $0x1000, $0x38;
	[tilespmem:$0x1000] =	vst v63  }
0x7: {  	_ =	swait.ge [sflag:s31], $0x1000  }
0x8: {  	[sflag:s31] =	ssyncset.done $0x0  }
0x9: {  	s4 =	simm.s32 $0x40;
	[sflag:s31] =	ssyncadd.s32 $0xFFFFF000  }
0xa: {  	v0 =	vld [tilespmem:s4+$0x30]  }
0xb: {  	v1 =	vld [tilespmem:s4+$0xFFFFFFD0]  }
0xc: {  	v2 =	vld [tilespmem:s4+$0xFFFFFFE0]  }
0xd: {  	v3 =	vld [tilespmem:s4+$0xFFFFFFF0];
	_ =	sdelay $0x2  }
0xe: {  	v4 =	vld [tilespmem:s4+$0x0]  }
0xf: {  	v5 =	vld [tilespmem:s4+$0x10];
	v6 =	vadd.f32 $1.000000000e+00, v0;
	v2 =	vadd.f32 $1.000000000e+00, v2  }
0x10: {  	v7 =	vadd.f32 $1.000000000e+00, v1;
	v3 =	vadd.f32 $1.000000000e+00, v3  }
0x11: {  	v0 =	vld [tilespmem:s4+$0x20];
	v8 =	vmul.f32 $1.000000010e-01, v6;
	v10 =	vmul.f32 $1.000000010e-01, v2  }
0x12: {  	v1 =	vld [tilespmem:s4+$0xFFFFFFC0];
	v9 =	vmul.f32 $1.000000010e-01, v7;
	v11 =	vmul.f32 $1.000000010e-01, v3  }
0x13: {  	v4 =	vadd.f32 $1.000000000e+00, v4;
	v8 =	vtrunc.f32 v8;
	v10 =	vtrunc.f32 v10  }
0x14: {  	v12 =	vadd.f32 $1.000000000e+00, v5;
	v11 =	vtrunc.f32 v11;
	v5 =	vcvt.f32.s32 v8  }
0x15: {  	v8 =	vtrunc.f32 v9;
	v9 =	vmul.f32 $1.000000010e-01, v4  }
0x16: {  	v13 =	vadd.f32 $1.000000000e+00, v0;
	v0 =	vmul.f32 $1.000000010e-01, v12;
	v10 =	vcvt.f32.s32 v10  }
0x17: {  	v1 =	vadd.f32 $1.000000000e+00, v1;
	v11 =	vcvt.f32.s32 v11;
	v8 =	vcvt.f32.s32 v8  }
0x18: {  	v5 =	vcvt.s32.f32 v5;
	v14 =	vmul.f32 $1.000000010e-01, v13  }
0x19: {  	s5 =	simm.s32 $0xC0;
	v15 =	vmul.f32 $1.000000010e-01, v1;
	v9 =	vtrunc.f32 v9  }
0x1a: {  	v17 =	vld [tilespmem:s5+$0x30];
	v0 =	vtrunc.f32 v0;
	v10 =	vcvt.s32.f32 v10  }
0x1b: {  	v11 =	vcvt.s32.f32 v11;
	v9 =	vcvt.f32.s32 v9  }
0x1c: {  	v16 =	vcvt.f32.s32 v0;
	v8 =	vcvt.s32.f32 v8  }
0x1d: {  	v5 =	vmul.f32 $1.000000000e+01, v5;
	v15 =	vtrunc.f32 v15  }
0x1e: {  	v14 =	vtrunc.f32 v14;
	v10 =	vmul.f32 $1.000000000e+01, v10  }
0x1f: {  	v17 =	vadd.f32 $1.000000000e+00, v17;
	v15 =	vcvt.f32.s32 v15;
	v14 =	vcvt.f32.s32 v14  }
0x20: {  	v9 =	vcvt.s32.f32 v9;
	v16 =	vcvt.s32.f32 v16  }
0x21: {  	v20 =	vld [tilespmem:s5+$0x0];
	v8 =	vmul.f32 $1.000000000e+01, v8;
	vm3 =	veq.f32 v10, v2;
	v2 =	vmul.f32 $1.000000010e-01, v17  }
0x22: {  	vm0 =	veq.f32 v5, v6;
	v5 =	vld [tilespmem:s5+$0xFFFFFFE0];
	v15 =	vcvt.s32.f32 v15;
	v14 =	vcvt.s32.f32 v14  }
0x23: {  	v18 =	vld [tilespmem:s5+$0xFFFFFFD0];
	v0 =	vimm.f32 $0.0e+00;
	v9 =	vmul.f32 $1.000000000e+01, v9;
	v16 =	vmul.f32 $1.000000000e+01, v16  }
0x24: {  	v19 =	vld [tilespmem:s5+$0xFFFFFFF0];
	vm5 =	veq.f32 v8, v7;
	v10 =	vtrunc.f32 v2;
	v6 =	vmul.f32 $1.000000000e+01, v15  }
0x25: {  	v15 =	vsel vm0, $0x3F800000, v0;
	vm2 =	veq.f32 v9, v4;
	v10 =	vcvt.f32.s32 v10  }
0x26: {  	v7 =	vld [tilespmem:s5+$0x20];
	v4 =	vadd.f32 $1.000000000e+00, v20;
	vm6 =	veq.f32 v6, v1;
	v6 =	vmul.f32 $1.000000000e+01, v11  }
0x27: {  	v14 =	vmul.f32 $1.000000000e+01, v14;
	v11 =	vld [tilespmem:s5+$0x10];
	v5 =	vadd.f32 $1.000000000e+00, v5;
	v10 =	vcvt.s32.f32 v10  }
0x28: {  	v8 =	vld [tilespmem:s5+$0xFFFFFFC0];
	v1 =	vadd.f32 $1.000000000e+00, v18;
	v62 =	vmul.f32 $1.000000010e-01, v4;
	vm4 =	veq.f32 v6, v3  }
0x29: {  	v6 =	vadd.f32 $1.000000000e+00, v19;
	v9 =	vmul.f32 $1.000000010e-01, v5;
	v10 =	vmul.f32 $1.000000000e+01, v10  }
0x2a: {  	vm1 =	veq.f32 v16, v12;
	v3 =	vmul.f32 $1.000000010e-01, v1;
	v16 =	vtrunc.f32 v62  }
0x2b: {  	v61 =	vmul.f32 $1.000000010e-01, v6;
	v9 =	vtrunc.f32 v9;
	vm15 =	veq.f32 v10, v17  }
0x2c: {  	v2 =	vadd.f32 $1.000000000e+00, v11;
	v11 =	vtrunc.f32 v3;
	v3 =	vadd.f32 $1.000000000e+00, v7  }
0x2d: {  	v7 =	vadd.f32 $1.000000000e+00, v8;
	v10 =	vcvt.f32.s32 v9;
	v9 =	vcvt.f32.s32 v16  }
0x2e: {  	vm0 =	veq.f32 v14, v13;
	v14 =	vtrunc.f32 v61;
	v11 =	vcvt.f32.s32 v11  }
0x2f: {  	[tilespmem:s4+$0x30] =	vst v15;
	v63 =	vsel vm6, $0x3F800000, v0;
	v12 =	vmul.f32 $1.000000010e-01, v3;
	v13 =	vmul.f32 $1.000000010e-01, v7  }
0x30: {  	[tilespmem:s4+$0xFFFFFFC0] =	vst v63;
	v16 =	vsel vm4, $0x3F800000, v0;
	v8 =	vmul.f32 $1.000000010e-01, v2;
	v11 =	vcvt.s32.f32 v11  }
0x31: {  	[tilespmem:s4+$0xFFFFFFF0] =	vst v16;
	v13 =	vtrunc.f32 v13;
	v17 =	vtrunc.f32 v12;
	v12 =	vsel vm15, $0x3F800000, v0  }
0x32: {  	v8 =	vtrunc.f32 v8;
	v15 =	vcvt.f32.s32 v13;
	[tilespmem:s5+$0x30] =	vst v12;
	v12 =	vsel vm5, $0x3F800000, v0  }
0x33: {  	v13 =	vcvt.f32.s32 v14;
	v14 =	vsel vm3, $0x3F800000, v0;
	[tilespmem:s4+$0xFFFFFFD0] =	vst v12;
	v12 =	vcvt.f32.s32 v8  }
0x34: {  	s6 =	simm.s32 $0x8;
	s7 =	simm.s32 $0x140;
	v8 =	vcvt.f32.s32 v17;
	[tilespmem:s4+$0xFFFFFFE0] =	vst v14;
	v14 =	vcvt.s32.f32 v15;
	v15 =	vsel vm2, $0x3F800000, v0  }
.LBB2_1:
0x35: {  	v16 =	vld [tilespmem:s7+$0x30];
	s6 =	sadd.s32 $0x8, s6;
	v10 =	vcvt.s32.f32 v10;
	v13 =	vcvt.s32.f32 v13;
	[tilespmem:s4+$0x0] =	vst v15;
	v15 =	vsel vm1, $0x3F800000, v0  }
0x36: {  	v9 =	vcvt.s32.f32 v9;
	v12 =	vcvt.s32.f32 v12;
	v17 =	vld [tilespmem:s7+$0xFFFFFFD0];
	p0 =	slt.u32 s6, $0xF8;
	[tilespmem:s4+$0x10] =	vst v15;
	v15 =	vsel vm0, $0x3F800000, v0  }
0x37: {  	v8 =	vcvt.s32.f32 v8;
	v14 =	vmul.f32 $1.000000000e+01, v14;
	v18 =	vld [tilespmem:s7+$0xFFFFFFE0];
	[tilespmem:s4+$0x20] =	vst v15;
	s4 =	smov.u32 s5;
	s5 =	smov.u32 s7  }
0x38: {  	v11 =	vmul.f32 $1.000000000e+01, v11;
	v10 =	vmul.f32 $1.000000000e+01, v10;
	v15 =	vld [tilespmem:s7+$0xFFFFFFF0]  }
0x39: {  	v9 =	vmul.f32 $1.000000000e+01, v9;
	vm6 =	veq.f32 v14, v7;
	v7 =	vmul.f32 $1.000000000e+01, v13;
	v19 =	vld [tilespmem:s7+$0x0]  }
0x3a: {  	v12 =	vmul.f32 $1.000000000e+01, v12;
	v8 =	vmul.f32 $1.000000000e+01, v8;
	v13 =	vld [tilespmem:s7+$0x10];
	v14 =	vadd.f32 $1.000000000e+00, v16  }
0x3b: {  	vm5 =	veq.f32 v11, v1;
	vm3 =	veq.f32 v10, v5;
	v16 =	vld [tilespmem:s7+$0x20];
	v1 =	vadd.f32 $1.000000000e+00, v17  }
0x3c: {  	vm4 =	veq.f32 v7, v6;
	v10 =	vld [tilespmem:s7+$0xFFFFFFC0];
	v5 =	vadd.f32 $1.000000000e+00, v18;
	v11 =	vmul.f32 $1.000000010e-01, v14  }
0x3d: {  	vm2 =	veq.f32 v9, v4;
	v7 =	vmul.f32 $1.000000010e-01, v1;
	v6 =	vadd.f32 $1.000000000e+00, v15  }
0x3e: {  	v9 =	vmul.f32 $1.000000010e-01, v5;
	v4 =	vadd.f32 $1.000000000e+00, v19;
	v11 =	vtrunc.f32 v11  }
0x3f: {  	v15 =	vmul.f32 $1.000000010e-01, v6;
	v13 =	vadd.f32 $1.000000000e+00, v13;
	v11 =	vcvt.f32.s32 v11  }
0x40: {  	v17 =	vtrunc.f32 v7;
	v18 =	vmul.f32 $1.000000010e-01, v4;
	v16 =	vadd.f32 $1.000000000e+00, v16  }
0x41: {  	v7 =	vadd.f32 $1.000000000e+00, v10;
	v10 =	vmul.f32 $1.000000010e-01, v13;
	v11 =	vcvt.s32.f32 v11  }
0x42: {  	vm1 =	veq.f32 v12, v2;
	v9 =	vtrunc.f32 v9;
	v2 =	vmovc v13;
	v19 =	vmul.f32 $1.000000010e-01, v16  }
0x43: {  	vm0 =	veq.f32 v8, v3;
	v3 =	vmovc v16;
	v12 =	vmul.f32 $1.000000010e-01, v7;
	v11 =	vmul.f32 $1.000000000e+01, v11  }
0x44: {  	v8 =	vtrunc.f32 v15;
	v13 =	vsel vm6, $0x3F800000, v0;
	v15 =	vtrunc.f32 v18  }
0x45: {  	v16 =	vtrunc.f32 v10;
	v12 =	vtrunc.f32 v12;
	vm6 =	veq.f32 v11, v14;
	[tilespmem:s4+$0xFFFFFFC0] =	vst v13  }
.Ltmp0:
0x46: {  	v14 =	vtrunc.f32 v19;
	v11 =	vcvt.f32.s32 v12;
	v12 =	vsel vm6, $0x3F800000, v0;
	(pc) =	sbr.rel @p0 .LBB2_1-.Ltmp0, $4  }
0x47: {  	v17 =	vcvt.f32.s32 v17;
	v10 =	vcvt.f32.s32 v9;
	[tilespmem:s7+$0x30] =	vst v12;
	v12 =	vsel vm5, $0x3F800000, v0  }
0x48: {  	v9 =	vcvt.f32.s32 v15;
	v15 =	vsel vm3, $0x3F800000, v0;
	v13 =	vcvt.f32.s32 v8;
	[tilespmem:s4+$0xFFFFFFD0] =	vst v12  }
0x49: {  	v8 =	vcvt.f32.s32 v14;
	v12 =	vcvt.f32.s32 v16;
	[tilespmem:s4+$0xFFFFFFE0] =	vst v15;
	v15 =	vsel vm4, $0x3F800000, v0  }
0x4a: {  	s7 =	sadd.s32 $0x80, s7;
	v14 =	vcvt.s32.f32 v11;
	v11 =	vcvt.s32.f32 v17;
	[tilespmem:s4+$0xFFFFFFF0] =	vst v15;
	v15 =	vsel vm2, $0x3F800000, v0  }
0x4b: {  	v10 =	vcvt.s32.f32 v10;
	v13 =	vcvt.s32.f32 v13  }
0x4c: {  	v16 =	vsel vm1, $0x3F800000, v0;
	v9 =	vcvt.s32.f32 v9;
	v14 =	vmul.f32 $1.000000000e+01, v14  }
0x4d: {  	[tilespmem:s4+$0x0] =	vst v15;
	v12 =	vcvt.s32.f32 v12;
	v53 =	vsel vm0, $0x3F800000, v0;
	v11 =	vmul.f32 $1.000000000e+01, v11  }
0x4e: {  	v8 =	vcvt.s32.f32 v8;
	[tilespmem:s4+$0x10] =	vst v16;
	v10 =	vmul.f32 $1.000000000e+01, v10;
	vm9 =	veq.f32 v14, v7  }
0x4f: {  	[tilespmem:s4+$0x20] =	vst v53;
	v54 =	vmul.f32 $1.000000000e+01, v13;
	vm10 =	veq.f32 v11, v1;
	v55 =	vsel vm9, $0x3F800000, v0  }
0x50: {  	v9 =	vmul.f32 $1.000000000e+01, v9;
	vm11 =	veq.f32 v10, v5;
	v56 =	vsel vm10, $0x3F800000, v0;
	[tilespmem:s5+$0xFFFFFFC0] =	vst v55  }
0x51: {  	v57 =	vmul.f32 $1.000000000e+01, v12;
	vm12 =	veq.f32 v54, v6;
	[tilespmem:s5+$0xFFFFFFD0] =	vst v56;
	v58 =	vsel vm11, $0x3F800000, v0  }
0x52: {  	v59 =	vmul.f32 $1.000000000e+01, v8;
	vm13 =	veq.f32 v9, v4;
	v60 =	vsel vm12, $0x3F800000, v0;
	[tilespmem:s5+$0xFFFFFFE0] =	vst v58  }
0x53: {  	vm14 =	veq.f32 v57, v2;
	v61 =	vsel vm13, $0x3F800000, v0;
	[tilespmem:s5+$0xFFFFFFF0] =	vst v60  }
0x54: {  	vm15 =	veq.f32 v59, v3;
	v62 =	vsel vm14, $0x3F800000, v0;
	[tilespmem:s5+$0x0] =	vst v61  }
0x55: {  	v63 =	vsel vm15, $0x3F800000, v0;
	[tilespmem:s5+$0x10] =	vst v62  }
0x56: {  	s2 =	sadd.s32 s2, s3;
	s30 =	simm.s32 $0x0;
	s31 =	simm.s32 $0x1;
	[tilespmem:s5+$0x20] =	vst v63  }
0x57: {  	[hbm4b:s2+s30] =	stream.linear.scatter [tilespmem:s30], [sflag:$0x1], $0x1000, $0x38;
	[tilespmem:$0x1000] =	vst v63  }
0x58: {  	_ =	swait.ge [sflag:s31], $0x1000  }
0x59: {  	[sflag:s31] =	ssyncset.done $0x0  }
0x5a: {  	[sflag:s31] =	ssyncadd.s32 $0xFFFFF000  }
0x5b: {  	_ =	sfence.sel $0x180000  }
0x5c: {  	[bflag:$0x0] =	sbarrier.arrive $0xFFFF  }
0x5d: {  	p0 =	sne.s32 s1, $0x0;
	_ =	strace $0x90000047  }
0x5e: {  	s0 =	sadd.s32 @!p0 $0x100000, s0;
	[bflag:$0x2] =	sbarrier.arrive $0xFFFF  }
0x5f: {  	[sflag:s0] =	ssyncadd.tile.s32 @!p0 $0x1;
	_ =	shalt  }
.Lfunc_end2:
_tile_overlayer_lowered:
.L_overlay_start_2:
0x60: {  	(tag) =	ssettag $0x2  }
0x61: {  	s0 =	rddreg [dreg:$0x0];
	s2 =	stileid.u32  }
0x62: {  	s1 =	rddreg [dreg:$0x1];
	p0 =	sne.s32 s2, $0x0  }
0x63: {  	s3 =	rddreg [dreg:$0x2];
	[bflag:$0x3] =	sbarrier.arrive $0xFFFF;
	s2 =	simm.s32 @!p0 $0x1C01  }
0x64: {  	[timem:s3], [sflag:s2] =	dma.local @!p0 [hbm:s0], s1  }
0x65: {  	s0 =	simm.s32 @!p0 $0x1  }
0x66: {  	_ =	swait.ge @!p0 [sflag:s0], s1  }
0x67: {  	s1 =	ssub.s32 @!p0 $0x0, s1;
	[sflag:s0] =	ssyncset.done @!p0 $0x0  }
0x68: {  	[sflag:s0] =	ssyncadd.s32 @!p0 s1  }
0x69: {  	[bflag:$0x3] =	sbarrier.arrive $0xFFFF  }
0x6a: {  	_ =	shalt  }

</sc_bundles>
